<compile_context>
chip_gen: v7x
topology: tpu7x:2x2x1
jax: 0.10.2.dev20260603
libtpu: 0.0.44.dev20260713+nightly
codegen_flags: <defaults>
</compile_context>

<pallas_src>
import functools

import jax
import jax.numpy as jnp
from jax import lax
from jax.experimental import pallas as pl
from jax.experimental.pallas import tpu as pltpu
from jax.experimental.pallas import tpu_sc as plsc

_B, _S, _D = 4, 2048, 2048
_NUM_NODES = 32
_NODE_DIM = _D // _NUM_NODES
_K = 8
_HID = _NODE_DIM // 2
_T = 1024

_N_TOK = _B * _S
_ROWS = _N_TOK * _K
_PAIR_W = 2 * _NODE_DIM
_NC, _NS = 2, 16
_NW = _NC * _NS
_RPW = _ROWS // _NW
_CH = 128
_NCH = _RPW // _CH


_G = 8
_GW = _G * _NODE_DIM
_GH = _G * _HID


def _score_kernel(x2_ref, w1_ref, b1_ref, w2_ref, idx_ref, pair_ref):
    x2 = x2_ref[...]
    t = x2.shape[0]
    ss = []
    for g in range(_NUM_NODES // _G):
        xg = x2[:, g * _GW : (g + 1) * _GW]
        hg = jnp.dot(
            xg.astype(jnp.bfloat16),
            w1_ref[...],
            preferred_element_type=jnp.float32,
        )
        hg = hg + b1_ref[...]
        hg = 0.5 * hg * (1.0 + lax.erf(hg * 0.7071067811865476))
        ss.append(
            jnp.dot(
                hg.astype(jnp.bfloat16),
                w2_ref[...],
                preferred_element_type=jnp.float32,
            )
        )
    s = jnp.concatenate(ss, axis=1)

    iota = lax.broadcasted_iota(jnp.int32, (t, _NUM_NODES), 1)
    cur = s
    idxs = []
    for _ in range(_K):
        m = jnp.max(cur, axis=1, keepdims=True)
        idx_k = jnp.min(
            jnp.where(cur == m, iota, _NUM_NODES), axis=1, keepdims=True
        )
        cur = jnp.where(iota == idx_k, -jnp.inf, cur)
        idxs.append(idx_k)

    idx = jnp.concatenate(idxs, axis=1)
    tok = pl.program_id(0) * t + lax.broadcasted_iota(jnp.int32, (t, _K), 0)
    flat = tok * _NUM_NODES + idx
    idx_ref[...] = flat
    pair_ref[...] = jnp.transpose(flat >> 1)


def _sc_gather_kernel(table_hbm, pair_hbm, out_hbm, idx_v, rows_v, sem):
    wid = lax.axis_index("s") * _NC + lax.axis_index("c")
    base = wid * _RPW

    def body(i, carry):
        off = base + i * _CH
        pltpu.sync_copy(pair_hbm.at[pl.ds(off, _CH)], idx_v)
        pltpu.async_copy(table_hbm.at[idx_v], rows_v, sem).wait()
        pltpu.sync_copy(rows_v, out_hbm.at[pl.ds(off, _CH)])
        return carry

    lax.fori_loop(0, _NCH, body, 0)


def _proj_kernel(raw_ref, idx_ref, wp_ref, bp_ref, out_ref):
    raw = raw_ref[...]
    t = raw.shape[1]
    parity = idx_ref[...] & 1
    parts = []
    for k in range(_K):
        raw_k = raw[k]
        par_k = parity[:, k : k + 1]
        parts.append(
            jnp.where(par_k == 1, raw_k[:, _NODE_DIM:], raw_k[:, :_NODE_DIM])
        )
    pooled = jnp.concatenate(parts, axis=1)
    out_ref[...] = (
        jnp.dot(pooled, wp_ref[...], preferred_element_type=jnp.float32)
        + bp_ref[...]
    )


@jax.jit
def kernel(graph_features, W1, b1, W2, b2, Wp, bp):
    del b2
    bsz, seqlen, dmodel = graph_features.shape
    n_tok = bsz * seqlen
    x2 = graph_features.reshape(n_tok, _D)

    eye = jnp.eye(_G, dtype=jnp.float32)
    w1bd = (eye[:, None, :, None] * W1[None, :, None, :]).reshape(
        _GW, _GH
    ).astype(jnp.bfloat16)
    w2bd = (eye[:, None, :] * W2[None, :, 0, None]).reshape(
        _GH, _G
    ).astype(jnp.bfloat16)
    b1bd = jnp.tile(b1, _G).reshape(1, _GH)

    grid = (n_tok // _T,)
    flat_idx, pair_idx = pl.pallas_call(
        _score_kernel,
        grid=grid,
        in_specs=[
            pl.BlockSpec((_T, _D), lambda i: (i, 0)),
            pl.BlockSpec((_GW, _GH), lambda i: (0, 0)),
            pl.BlockSpec((1, _GH), lambda i: (0, 0)),
            pl.BlockSpec((_GH, _G), lambda i: (0, 0)),
        ],
        out_specs=[
            pl.BlockSpec((_T, _K), lambda i: (i, 0)),
            pl.BlockSpec((_K, _T), lambda i: (0, i)),
        ],
        out_shape=[
            jax.ShapeDtypeStruct((n_tok, _K), jnp.int32),
            jax.ShapeDtypeStruct((_K, n_tok), jnp.int32),
        ],
        compiler_params=pltpu.CompilerParams(
            dimension_semantics=("parallel",)
        ),
    )(x2, w1bd, b1bd, w2bd)

    table = graph_features.reshape(n_tok * _NUM_NODES // 2, _PAIR_W)
    gather = functools.partial(
        pl.kernel,
        mesh=plsc.VectorSubcoreMesh(core_axis_name="c", subcore_axis_name="s"),
        out_type=jax.ShapeDtypeStruct((_ROWS, _PAIR_W), jnp.float32),
        scratch_types=[
            pltpu.VMEM((_CH,), jnp.int32),
            pltpu.VMEM((_CH, _PAIR_W), jnp.float32),
            pltpu.SemaphoreType.DMA,
        ],
    )(_sc_gather_kernel)
    raw = gather(table, pair_idx.reshape(_ROWS))

    raw3 = raw.reshape(_K, n_tok, _PAIR_W)
    out = pl.pallas_call(
        _proj_kernel,
        grid=grid,
        in_specs=[
            pl.BlockSpec((_K, _T, _PAIR_W), lambda i: (0, i, 0)),
            pl.BlockSpec((_T, _K), lambda i: (i, 0)),
            pl.BlockSpec((_K * _NODE_DIM, _D), lambda i: (0, 0)),
            pl.BlockSpec((1, _D), lambda i: (0, 0)),
        ],
        out_specs=pl.BlockSpec((_T, _D), lambda i: (i, 0)),
        out_shape=jax.ShapeDtypeStruct((n_tok, _D), jnp.float32),
        compiler_params=pltpu.CompilerParams(
            dimension_semantics=("parallel",)
        ),
    )(raw3, flat_idx, Wp, bp.reshape(1, _D))
    return out.reshape(bsz, seqlen, dmodel)

# --- scband reference (transcript-rebuilt; emitter-appended) ---
"""Pipeline reference for scband-post-processing-module-11965778887099 (READ-ONLY COPY).

The authoritative reference and input builder live on the scoring server;
editing this copy changes nothing except your own understanding.
"""

import jax, jax.numpy as jnp
import numpy as np

B, S, D = 4, 2048, 2048
NUM_NODES = 32
NODE_DIM = D // NUM_NODES  # 64
K = 8
TEMP = 1.0
HID = max(1, NODE_DIM // 2)  # 32


def setup_inputs(seed: int = 0) -> dict:
    key = jax.random.key(seed)
    ks = jax.random.split(key, 8)
    graph_features = jax.random.normal(ks[0], (B, S, D), dtype=jnp.float32)
    # node_score MLP: Linear(node_dim, hid) -> GELU -> Linear(hid, 1)
    W1 = jax.random.normal(ks[1], (NODE_DIM, HID), dtype=jnp.float32) * (1.0 / np.sqrt(NODE_DIM))
    b1 = jnp.zeros((HID,), dtype=jnp.float32)
    W2 = jax.random.normal(ks[2], (HID, 1), dtype=jnp.float32) * (1.0 / np.sqrt(HID))
    b2 = jnp.zeros((1,), dtype=jnp.float32)
    # topk_projection: Linear(K * node_dim, d_model)
    Wp = jax.random.normal(ks[3], (K * NODE_DIM, D), dtype=jnp.float32) * (1.0 / np.sqrt(K * NODE_DIM))
    bp = jnp.zeros((D,), dtype=jnp.float32)
    return {"graph_features": graph_features, "W1": W1, "b1": b1, "W2": W2, "b2": b2, "Wp": Wp, "bp": bp}


def reference(graph_features, W1, b1, W2, b2, Wp, bp):
    bsz, seqlen, dmodel = graph_features.shape
    per_node = graph_features.reshape(bsz, seqlen, NUM_NODES, NODE_DIM)
    h = jax.nn.gelu(per_node @ W1 + b1, approximate=False)
    scores = (h @ W2 + b2)[..., 0]  # [B, S, NUM_NODES]
    attention_weights = jax.nn.softmax(scores / TEMP, axis=-1)
    topk_attention, topk_idx = jax.lax.top_k(attention_weights, K)  # [B, S, K]
    idx_expanded = topk_idx[..., None]  # [B, S, K, 1]
    topk_nodes = jnp.take_along_axis(per_node, idx_expanded, axis=2)  # [B, S, K, NODE_DIM]
    pooled = topk_nodes.reshape(bsz, seqlen, K * NODE_DIM)
    out = pooled @ Wp + bp
    return out

if __name__ == "__main__":
    import jax
    _d = setup_inputs()
    print(jax.jit(kernel)(*tuple(_d.values())))

</pallas_src>

<mosaic_0001>
#map = affine_map<(d0, d1) -> (0, 0)>
#map1 = affine_map<(d0, d1) -> (0)>
module attributes {stable_mosaic.version = 14 : i64} {
  func.func @_sc_gather_kernel(%arg0: i32, %arg1: i32, %arg2: memref<131072x128xf32, #tpu.memory_space<hbm>>, %arg3: memref<65536xi32, #tpu.memory_space<hbm>>, %arg4: memref<65536x128xf32, #tpu.memory_space<hbm>>, %arg5: memref<128xi32, #tpu.memory_space<vmem>>, %arg6: memref<128x128xf32, #tpu.memory_space<vmem>>, %arg7: memref<!tpu.dma_semaphore, #tpu.memory_space<semaphore_mem>>) attributes {dimension_semantics = [#tpu.dimension_semantics<core_parallel>, #tpu.dimension_semantics<subcore_parallel>], iteration_bounds = array<i64: 2, 16>, scalar_prefetch = 0 : i64, scratch_operands = 3 : i64, tpu.core_type = #tpu.core_type<sc_vector_subcore>, window_params = [{transform_indices = #map}, {transform_indices = #map1}, {transform_indices = #map}]} {
    %mul3A = arith.constant 2 : i32
    %mul3A_0 = arith.muli %arg1, %mul3A : i32
    %add3A = arith.addi %mul3A_0, %arg0 : i32
    %mul3A_1 = arith.constant 2048 : i32
    %mul3A_2 = arith.muli %add3A, %mul3A_1 : i32
    %scan3A = arith.constant 0 : i32
    %scan3A_3 = arith.constant 0 : i32
    %scan3A_4 = arith.constant 16 : i32
    %scan3A_5 = arith.addi %scan3A_3, %scan3A_4 : i32
    %scan3A_6 = arith.constant 1 : i32
    scf.for %scan3A_8 = %scan3A_3 to %scan3A_5 step %scan3A_6  : i32 {
      %mul3A_9 = arith.constant 128 : i32
      %mul3A_10 = arith.muli %scan3A_8, %mul3A_9 : i32
      %add3A_11 = arith.addi %mul3A_2, %mul3A_10 : i32
      "tpu.region"() ({
        %run_scoped3A = tpu.sem_alloc : memref<!tpu.dma_semaphore, #tpu.memory_space<semaphore_mem>>
        %dma_start3A_16 = tpu.memref_slice %arg3[%add3A_11] : memref<65536xi32, #tpu.memory_space<hbm>> -> memref<128xi32, #tpu.memory_space<hbm>>
        %dma_start3A_17 = tpu.memref_slice %arg3[%add3A_11] : memref<65536xi32, #tpu.memory_space<hbm>> -> memref<128xi32, #tpu.memory_space<hbm>>
        tpu.enqueue_dma source(%dma_start3A_17 : memref<128xi32, #tpu.memory_space<hbm>>) target(%arg5 : memref<128xi32, #tpu.memory_space<vmem>>) target_semaphore(%run_scoped3A : memref<!tpu.dma_semaphore, #tpu.memory_space<semaphore_mem>>)
        %dma_wait3A_18 = tpu.memref_slice %arg3[%add3A_11] : memref<65536xi32, #tpu.memory_space<hbm>> -> memref<128xi32, #tpu.memory_space<hbm>>
        %dma_wait3A_19 = tpu.memref_slice %arg3[%add3A_11] : memref<65536xi32, #tpu.memory_space<hbm>> -> memref<128xi32, #tpu.memory_space<hbm>>
        tpu.wait_dma2 semaphore(%run_scoped3A : memref<!tpu.dma_semaphore, #tpu.memory_space<semaphore_mem>>) src(%dma_wait3A_19 : memref<128xi32, #tpu.memory_space<hbm>>) dst(%arg5 : memref<128xi32, #tpu.memory_space<vmem>>)
        tpu.yield
      }) : () -> ()
      %dma_start3A = arith.constant 0 : i32
      %dma_start3A_12 = arith.constant 0 : i32
      %dma_start3A_13 = tpu.memref_slice %arg2[%dma_start3A, %dma_start3A_12] : memref<131072x128xf32, #tpu.memory_space<hbm>> -> memref<131072x128xf32, #tpu.memory_space<hbm>>
      tpu.enqueue_indirect_dma source(%dma_start3A_13 : memref<131072x128xf32, #tpu.memory_space<hbm>>) target(%arg6 : memref<128x128xf32, #tpu.memory_space<vmem>>) offsets(%arg5 : memref<128xi32, #tpu.memory_space<vmem>>) semaphore(%arg7 : memref<!tpu.dma_semaphore, #tpu.memory_space<semaphore_mem>>)
      %dma_wait3A = arith.constant 0 : i32
      %dma_wait3A_14 = arith.constant 0 : i32
      %dma_wait3A_15 = tpu.memref_slice %arg2[%dma_wait3A, %dma_wait3A_14] : memref<131072x128xf32, #tpu.memory_space<hbm>> -> memref<131072x128xf32, #tpu.memory_space<hbm>>
      tpu.wait_indirect_dma semaphore(%arg7 : memref<!tpu.dma_semaphore, #tpu.memory_space<semaphore_mem>>) src(%dma_wait3A_15 : memref<131072x128xf32, #tpu.memory_space<hbm>>) dst(%arg6 : memref<128x128xf32, #tpu.memory_space<vmem>>)
      "tpu.region"() ({
        %run_scoped3A = tpu.sem_alloc : memref<!tpu.dma_semaphore, #tpu.memory_space<semaphore_mem>>
        %dma_start3A_16 = arith.constant 0 : i32
        %dma_start3A_17 = tpu.memref_slice %arg4[%add3A_11, %dma_start3A_16] : memref<65536x128xf32, #tpu.memory_space<hbm>> -> memref<128x128xf32, #tpu.memory_space<hbm>>
        %dma_start3A_18 = arith.constant 0 : i32
        %dma_start3A_19 = tpu.memref_slice %arg4[%add3A_11, %dma_start3A_18] : memref<65536x128xf32, #tpu.memory_space<hbm>> -> memref<128x128xf32, #tpu.memory_space<hbm>>
        tpu.enqueue_dma source(%arg6 : memref<128x128xf32, #tpu.memory_space<vmem>>) target(%dma_start3A_19 : memref<128x128xf32, #tpu.memory_space<hbm>>) target_semaphore(%run_scoped3A : memref<!tpu.dma_semaphore, #tpu.memory_space<semaphore_mem>>)
        %dma_wait3A_20 = arith.constant 0 : i32
        %dma_wait3A_21 = tpu.memref_slice %arg4[%add3A_11, %dma_wait3A_20] : memref<65536x128xf32, #tpu.memory_space<hbm>> -> memref<128x128xf32, #tpu.memory_space<hbm>>
        %dma_wait3A_22 = arith.constant 0 : i32
        %dma_wait3A_23 = tpu.memref_slice %arg4[%add3A_11, %dma_wait3A_22] : memref<65536x128xf32, #tpu.memory_space<hbm>> -> memref<128x128xf32, #tpu.memory_space<hbm>>
        tpu.wait_dma2 semaphore(%run_scoped3A : memref<!tpu.dma_semaphore, #tpu.memory_space<semaphore_mem>>) src(%arg6 : memref<128x128xf32, #tpu.memory_space<vmem>>) dst(%dma_wait3A_23 : memref<128x128xf32, #tpu.memory_space<hbm>>)
        tpu.yield
      }) : () -> ()
    }
    %scan3A_7 = arith.constant 16 : i32
    return
  }
}

module attributes {stable_mosaic.version = 14 : i64} {
  func.func @_score_kernel(%arg0: i32, %arg1: memref<1024x2048xf32, #tpu.memory_space<vmem>>, %arg2: memref<512x256xbf16, #tpu.memory_space<vmem>>, %arg3: memref<1x256xf32, #tpu.memory_space<vmem>>, %arg4: memref<256x8xbf16, #tpu.memory_space<vmem>>, %arg5: memref<1024x8xi32, #tpu.memory_space<vmem>>, %arg6: memref<8x1024xi32, #tpu.memory_space<vmem>>) attributes {dimension_semantics = [#tpu.dimension_semantics<parallel>], iteration_bounds = array<i64: 8>, scalar_prefetch = 0 : i64, scratch_operands = 0 : i64, tpu.core_type = #tpu.core_type<tc>, window_params = [{transform_indices = @transform_0, window_bounds = array<i64: 1024, 2048>}, {pipeline_mode = #tpu.pipeline_mode<synchronous>, transform_indices = @transform_1, window_bounds = array<i64: 512, 256>}, {pipeline_mode = #tpu.pipeline_mode<synchronous>, transform_indices = @transform_2, window_bounds = array<i64: 1, 256>}, {pipeline_mode = #tpu.pipeline_mode<synchronous>, transform_indices = @transform_3, window_bounds = array<i64: 256, 8>}, {transform_indices = @transform_4, window_bounds = array<i64: 1024, 8>}, {transform_indices = @transform_5, window_bounds = array<i64: 8, 1024>}]} {
    %get3A = arith.constant 0 : index
    %get3A_0 = arith.constant 0 : index
    %get3A_1 = vector.load %arg1[%get3A, %get3A_0] : memref<1024x2048xf32, #tpu.memory_space<vmem>>, vector<1024x2048xf32>
    %slice3A = vector.extract_strided_slice %get3A_1 {offsets = [0, 0], sizes = [1024, 512], strides = [1, 1]} : vector<1024x2048xf32> to vector<1024x512xf32>
    %convert_element_type3A = arith.truncf %slice3A : vector<1024x512xf32> to vector<1024x512xbf16>
    %get3A_2 = arith.constant 0 : index
    %get3A_3 = arith.constant 0 : index
    %get3A_4 = vector.load %arg2[%get3A_2, %get3A_3] : memref<512x256xbf16, #tpu.memory_space<vmem>>, vector<512x256xbf16>
    %dot_general3A = arith.constant dense<0.000000e+00> : vector<1024x256xf32>
    %dot_general3A_5 = tpu.matmul %convert_element_type3A, %get3A_4, %dot_general3A {dimension_numbers = #tpu.dot_dimension_numbers<[1], [0], [0], [1], [0, 0, 1, 1], [], []>, transpose_lhs_hint = false} : vector<1024x512xbf16>, vector<512x256xbf16>, vector<1024x256xf32> -> vector<1024x256xf32>
    %get3A_6 = arith.constant 0 : index
    %get3A_7 = arith.constant 0 : index
    %get3A_8 = vector.load %arg3[%get3A_6, %get3A_7] : memref<1x256xf32, #tpu.memory_space<vmem>>, vector<1x256xf32>
    %add3A = vector.broadcast %get3A_8 : vector<1x256xf32> to vector<1024x256xf32>
    %add3A_9 = arith.addf %dot_general3A_5, %add3A : vector<1024x256xf32>
    %mul3A = arith.constant 5.000000e-01 : f32
    %mul3A_10 = vector.broadcast %mul3A : f32 to vector<1024x256xf32>
    %mul3A_11 = arith.mulf %mul3A_10, %add3A_9 : vector<1024x256xf32>
    %mul3A_12 = arith.constant 0.707106769 : f32
    %mul3A_13 = vector.broadcast %mul3A_12 : f32 to vector<1024x256xf32>
    %mul3A_14 = arith.mulf %add3A_9, %mul3A_13 : vector<1024x256xf32>
    %erf3A = math.erf %mul3A_14 : vector<1024x256xf32>
    %add3A_15 = arith.constant 1.000000e+00 : f32
    %add3A_16 = vector.broadcast %add3A_15 : f32 to vector<1024x256xf32>
    %add3A_17 = arith.addf %add3A_16, %erf3A : vector<1024x256xf32>
    %mul3A_18 = arith.mulf %mul3A_11, %add3A_17 : vector<1024x256xf32>
    %convert_element_type3A_19 = arith.truncf %mul3A_18 : vector<1024x256xf32> to vector<1024x256xbf16>
    %get3A_20 = arith.constant 0 : index
    %get3A_21 = arith.constant 0 : index
    %get3A_22 = vector.load %arg4[%get3A_20, %get3A_21] : memref<256x8xbf16, #tpu.memory_space<vmem>>, vector<256x8xbf16>
    %dot_general3A_23 = arith.constant dense<0.000000e+00> : vector<1024x8xf32>
    %dot_general3A_24 = tpu.matmul %convert_element_type3A_19, %get3A_22, %dot_general3A_23 {dimension_numbers = #tpu.dot_dimension_numbers<[1], [0], [0], [1], [0, 0, 1, 1], [], []>, transpose_lhs_hint = false} : vector<1024x256xbf16>, vector<256x8xbf16>, vector<1024x8xf32> -> vector<1024x8xf32>
    %slice3A_25 = vector.extract_strided_slice %get3A_1 {offsets = [0, 512], sizes = [1024, 512], strides = [1, 1]} : vector<1024x2048xf32> to vector<1024x512xf32>
    %convert_element_type3A_26 = arith.truncf %slice3A_25 : vector<1024x512xf32> to vector<1024x512xbf16>
    %get3A_27 = arith.constant 0 : index
    %get3A_28 = arith.constant 0 : index
    %get3A_29 = vector.load %arg2[%get3A_27, %get3A_28] : memref<512x256xbf16, #tpu.memory_space<vmem>>, vector<512x256xbf16>
    %dot_general3A_30 = arith.constant dense<0.000000e+00> : vector<1024x256xf32>
    %dot_general3A_31 = tpu.matmul %convert_element_type3A_26, %get3A_29, %dot_general3A_30 {dimension_numbers = #tpu.dot_dimension_numbers<[1], [0], [0], [1], [0, 0, 1, 1], [], []>, transpose_lhs_hint = false} : vector<1024x512xbf16>, vector<512x256xbf16>, vector<1024x256xf32> -> vector<1024x256xf32>
    %get3A_32 = arith.constant 0 : index
    %get3A_33 = arith.constant 0 : index
    %get3A_34 = vector.load %arg3[%get3A_32, %get3A_33] : memref<1x256xf32, #tpu.memory_space<vmem>>, vector<1x256xf32>
    %add3A_35 = vector.broadcast %get3A_34 : vector<1x256xf32> to vector<1024x256xf32>
    %add3A_36 = arith.addf %dot_general3A_31, %add3A_35 : vector<1024x256xf32>
    %mul3A_37 = arith.constant 5.000000e-01 : f32
    %mul3A_38 = vector.broadcast %mul3A_37 : f32 to vector<1024x256xf32>
    %mul3A_39 = arith.mulf %mul3A_38, %add3A_36 : vector<1024x256xf32>
    %mul3A_40 = arith.constant 0.707106769 : f32
    %mul3A_41 = vector.broadcast %mul3A_40 : f32 to vector<1024x256xf32>
    %mul3A_42 = arith.mulf %add3A_36, %mul3A_41 : vector<1024x256xf32>
    %erf3A_43 = math.erf %mul3A_42 : vector<1024x256xf32>
    %add3A_44 = arith.constant 1.000000e+00 : f32
    %add3A_45 = vector.broadcast %add3A_44 : f32 to vector<1024x256xf32>
    %add3A_46 = arith.addf %add3A_45, %erf3A_43 : vector<1024x256xf32>
    %mul3A_47 = arith.mulf %mul3A_39, %add3A_46 : vector<1024x256xf32>
    %convert_element_type3A_48 = arith.truncf %mul3A_47 : vector<1024x256xf32> to vector<1024x256xbf16>
    %get3A_49 = arith.constant 0 : index
    %get3A_50 = arith.constant 0 : index
    %get3A_51 = vector.load %arg4[%get3A_49, %get3A_50] : memref<256x8xbf16, #tpu.memory_space<vmem>>, vector<256x8xbf16>
    %dot_general3A_52 = arith.constant dense<0.000000e+00> : vector<1024x8xf32>
    %dot_general3A_53 = tpu.matmul %convert_element_type3A_48, %get3A_51, %dot_general3A_52 {dimension_numbers = #tpu.dot_dimension_numbers<[1], [0], [0], [1], [0, 0, 1, 1], [], []>, transpose_lhs_hint = false} : vector<1024x256xbf16>, vector<256x8xbf16>, vector<1024x8xf32> -> vector<1024x8xf32>
    %slice3A_54 = vector.extract_strided_slice %get3A_1 {offsets = [0, 1024], sizes = [1024, 512], strides = [1, 1]} : vector<1024x2048xf32> to vector<1024x512xf32>
    %convert_element_type3A_55 = arith.truncf %slice3A_54 : vector<1024x512xf32> to vector<1024x512xbf16>
    %get3A_56 = arith.constant 0 : index
    %get3A_57 = arith.constant 0 : index
    %get3A_58 = vector.load %arg2[%get3A_56, %get3A_57] : memref<512x256xbf16, #tpu.memory_space<vmem>>, vector<512x256xbf16>
    %dot_general3A_59 = arith.constant dense<0.000000e+00> : vector<1024x256xf32>
    %dot_general3A_60 = tpu.matmul %convert_element_type3A_55, %get3A_58, %dot_general3A_59 {dimension_numbers = #tpu.dot_dimension_numbers<[1], [0], [0], [1], [0, 0, 1, 1], [], []>, transpose_lhs_hint = false} : vector<1024x512xbf16>, vector<512x256xbf16>, vector<1024x256xf32> -> vector<1024x256xf32>
    %get3A_61 = arith.constant 0 : index
    %get3A_62 = arith.constant 0 : index
    %get3A_63 = vector.load %arg3[%get3A_61, %get3A_62] : memref<1x256xf32, #tpu.memory_space<vmem>>, vector<1x256xf32>
    %add3A_64 = vector.broadcast %get3A_63 : vector<1x256xf32> to vector<1024x256xf32>
    %add3A_65 = arith.addf %dot_general3A_60, %add3A_64 : vector<1024x256xf32>
    %mul3A_66 = arith.constant 5.000000e-01 : f32
    %mul3A_67 = vector.broadcast %mul3A_66 : f32 to vector<1024x256xf32>
    %mul3A_68 = arith.mulf %mul3A_67, %add3A_65 : vector<1024x256xf32>
    %mul3A_69 = arith.constant 0.707106769 : f32
    %mul3A_70 = vector.broadcast %mul3A_69 : f32 to vector<1024x256xf32>
    %mul3A_71 = arith.mulf %add3A_65, %mul3A_70 : vector<1024x256xf32>
    %erf3A_72 = math.erf %mul3A_71 : vector<1024x256xf32>
    %add3A_73 = arith.constant 1.000000e+00 : f32
    %add3A_74 = vector.broadcast %add3A_73 : f32 to vector<1024x256xf32>
    %add3A_75 = arith.addf %add3A_74, %erf3A_72 : vector<1024x256xf32>
    %mul3A_76 = arith.mulf %mul3A_68, %add3A_75 : vector<1024x256xf32>
    %convert_element_type3A_77 = arith.truncf %mul3A_76 : vector<1024x256xf32> to vector<1024x256xbf16>
    %get3A_78 = arith.constant 0 : index
    %get3A_79 = arith.constant 0 : index
    %get3A_80 = vector.load %arg4[%get3A_78, %get3A_79] : memref<256x8xbf16, #tpu.memory_space<vmem>>, vector<256x8xbf16>
    %dot_general3A_81 = arith.constant dense<0.000000e+00> : vector<1024x8xf32>
    %dot_general3A_82 = tpu.matmul %convert_element_type3A_77, %get3A_80, %dot_general3A_81 {dimension_numbers = #tpu.dot_dimension_numbers<[1], [0], [0], [1], [0, 0, 1, 1], [], []>, transpose_lhs_hint = false} : vector<1024x256xbf16>, vector<256x8xbf16>, vector<1024x8xf32> -> vector<1024x8xf32>
    %slice3A_83 = vector.extract_strided_slice %get3A_1 {offsets = [0, 1536], sizes = [1024, 512], strides = [1, 1]} : vector<1024x2048xf32> to vector<1024x512xf32>
    %convert_element_type3A_84 = arith.truncf %slice3A_83 : vector<1024x512xf32> to vector<1024x512xbf16>
    %get3A_85 = arith.constant 0 : index
    %get3A_86 = arith.constant 0 : index
    %get3A_87 = vector.load %arg2[%get3A_85, %get3A_86] : memref<512x256xbf16, #tpu.memory_space<vmem>>, vector<512x256xbf16>
    %dot_general3A_88 = arith.constant dense<0.000000e+00> : vector<1024x256xf32>
    %dot_general3A_89 = tpu.matmul %convert_element_type3A_84, %get3A_87, %dot_general3A_88 {dimension_numbers = #tpu.dot_dimension_numbers<[1], [0], [0], [1], [0, 0, 1, 1], [], []>, transpose_lhs_hint = false} : vector<1024x512xbf16>, vector<512x256xbf16>, vector<1024x256xf32> -> vector<1024x256xf32>
    %get3A_90 = arith.constant 0 : index
    %get3A_91 = arith.constant 0 : index
    %get3A_92 = vector.load %arg3[%get3A_90, %get3A_91] : memref<1x256xf32, #tpu.memory_space<vmem>>, vector<1x256xf32>
    %add3A_93 = vector.broadcast %get3A_92 : vector<1x256xf32> to vector<1024x256xf32>
    %add3A_94 = arith.addf %dot_general3A_89, %add3A_93 : vector<1024x256xf32>
    %mul3A_95 = arith.constant 5.000000e-01 : f32
    %mul3A_96 = vector.broadcast %mul3A_95 : f32 to vector<1024x256xf32>
    %mul3A_97 = arith.mulf %mul3A_96, %add3A_94 : vector<1024x256xf32>
    %mul3A_98 = arith.constant 0.707106769 : f32
    %mul3A_99 = vector.broadcast %mul3A_98 : f32 to vector<1024x256xf32>
    %mul3A_100 = arith.mulf %add3A_94, %mul3A_99 : vector<1024x256xf32>
    %erf3A_101 = math.erf %mul3A_100 : vector<1024x256xf32>
    %add3A_102 = arith.constant 1.000000e+00 : f32
    %add3A_103 = vector.broadcast %add3A_102 : f32 to vector<1024x256xf32>
    %add3A_104 = arith.addf %add3A_103, %erf3A_101 : vector<1024x256xf32>
    %mul3A_105 = arith.mulf %mul3A_97, %add3A_104 : vector<1024x256xf32>
    %convert_element_type3A_106 = arith.truncf %mul3A_105 : vector<1024x256xf32> to vector<1024x256xbf16>
    %get3A_107 = arith.constant 0 : index
    %get3A_108 = arith.constant 0 : index
    %get3A_109 = vector.load %arg4[%get3A_107, %get3A_108] : memref<256x8xbf16, #tpu.memory_space<vmem>>, vector<256x8xbf16>
    %dot_general3A_110 = arith.constant dense<0.000000e+00> : vector<1024x8xf32>
    %dot_general3A_111 = tpu.matmul %convert_element_type3A_106, %get3A_109, %dot_general3A_110 {dimension_numbers = #tpu.dot_dimension_numbers<[1], [0], [0], [1], [0, 0, 1, 1], [], []>, transpose_lhs_hint = false} : vector<1024x256xbf16>, vector<256x8xbf16>, vector<1024x8xf32> -> vector<1024x8xf32>
    %concatenate3A = tpu.concatenate %dot_general3A_24, %dot_general3A_53, %dot_general3A_82, %dot_general3A_111 in 1 : vector<1024x8xf32>, vector<1024x8xf32>, vector<1024x8xf32>, vector<1024x8xf32> -> vector<1024x32xf32>
    %iota3A = tpu.iota {dimensions = array<i32: 1>} : vector<1024x32xi32>
    %reduce_max3A = arith.constant dense<0xFF800000> : vector<1024xf32>
    %reduce_max3A_112 = vector.multi_reduction <maximumf>, %concatenate3A, %reduce_max3A [1] : vector<1024x32xf32> to vector<1024xf32>
    %broadcast_in_dim3A = vector.shape_cast %reduce_max3A_112 : vector<1024xf32> to vector<1024x1xf32>
    %eq3A = vector.broadcast %broadcast_in_dim3A : vector<1024x1xf32> to vector<1024x32xf32>
    %eq3A_113 = arith.cmpf oeq, %concatenate3A, %eq3A : vector<1024x32xf32>
    %jit3A = arith.constant 32 : i32
    %broadcast_in_dim3A_114 = vector.broadcast %jit3A : i32 to vector<1024x32xi32>
    %select_n3A = arith.select %eq3A_113, %iota3A, %broadcast_in_dim3A_114 : vector<1024x32xi1>, vector<1024x32xi32>
    %reduce_min3A = arith.constant dense<2147483647> : vector<1024xi32>
    %reduce_min3A_115 = vector.multi_reduction <minsi>, %select_n3A, %reduce_min3A [1] : vector<1024x32xi32> to vector<1024xi32>
    %broadcast_in_dim3A_116 = vector.shape_cast %reduce_min3A_115 : vector<1024xi32> to vector<1024x1xi32>
    %eq3A_117 = vector.broadcast %broadcast_in_dim3A_116 : vector<1024x1xi32> to vector<1024x32xi32>
    %eq3A_118 = arith.cmpi eq, %iota3A, %eq3A_117 : vector<1024x32xi32>
    %jit3A_119 = arith.constant 0xFF800000 : f32
    %broadcast_in_dim3A_120 = vector.broadcast %jit3A_119 : f32 to vector<1024x32xf32>
    %select_n3A_121 = arith.select %eq3A_118, %broadcast_in_dim3A_120, %concatenate3A : vector<1024x32xi1>, vector<1024x32xf32>
    %reduce_max3A_122 = arith.constant dense<0xFF800000> : vector<1024xf32>
    %reduce_max3A_123 = vector.multi_reduction <maximumf>, %select_n3A_121, %reduce_max3A_122 [1] : vector<1024x32xf32> to vector<1024xf32>
    %broadcast_in_dim3A_124 = vector.shape_cast %reduce_max3A_123 : vector<1024xf32> to vector<1024x1xf32>
    %eq3A_125 = vector.broadcast %broadcast_in_dim3A_124 : vector<1024x1xf32> to vector<1024x32xf32>
    %eq3A_126 = arith.cmpf oeq, %select_n3A_121, %eq3A_125 : vector<1024x32xf32>
    %jit3A_127 = arith.constant 32 : i32
    %broadcast_in_dim3A_128 = vector.broadcast %jit3A_127 : i32 to vector<1024x32xi32>
    %select_n3A_129 = arith.select %eq3A_126, %iota3A, %broadcast_in_dim3A_128 : vector<1024x32xi1>, vector<1024x32xi32>
    %reduce_min3A_130 = arith.constant dense<2147483647> : vector<1024xi32>
    %reduce_min3A_131 = vector.multi_reduction <minsi>, %select_n3A_129, %reduce_min3A_130 [1] : vector<1024x32xi32> to vector<1024xi32>
    %broadcast_in_dim3A_132 = vector.shape_cast %reduce_min3A_131 : vector<1024xi32> to vector<1024x1xi32>
    %eq3A_133 = vector.broadcast %broadcast_in_dim3A_132 : vector<1024x1xi32> to vector<1024x32xi32>
    %eq3A_134 = arith.cmpi eq, %iota3A, %eq3A_133 : vector<1024x32xi32>
    %jit3A_135 = arith.constant 0xFF800000 : f32
    %broadcast_in_dim3A_136 = vector.broadcast %jit3A_135 : f32 to vector<1024x32xf32>
    %select_n3A_137 = arith.select %eq3A_134, %broadcast_in_dim3A_136, %select_n3A_121 : vector<1024x32xi1>, vector<1024x32xf32>
    %reduce_max3A_138 = arith.constant dense<0xFF800000> : vector<1024xf32>
    %reduce_max3A_139 = vector.multi_reduction <maximumf>, %select_n3A_137, %reduce_max3A_138 [1] : vector<1024x32xf32> to vector<1024xf32>
    %broadcast_in_dim3A_140 = vector.shape_cast %reduce_max3A_139 : vector<1024xf32> to vector<1024x1xf32>
    %eq3A_141 = vector.broadcast %broadcast_in_dim3A_140 : vector<1024x1xf32> to vector<1024x32xf32>
    %eq3A_142 = arith.cmpf oeq, %select_n3A_137, %eq3A_141 : vector<1024x32xf32>
    %jit3A_143 = arith.constant 32 : i32
    %broadcast_in_dim3A_144 = vector.broadcast %jit3A_143 : i32 to vector<1024x32xi32>
    %select_n3A_145 = arith.select %eq3A_142, %iota3A, %broadcast_in_dim3A_144 : vector<1024x32xi1>, vector<1024x32xi32>
    %reduce_min3A_146 = arith.constant dense<2147483647> : vector<1024xi32>
    %reduce_min3A_147 = vector.multi_reduction <minsi>, %select_n3A_145, %reduce_min3A_146 [1] : vector<1024x32xi32> to vector<1024xi32>
    %broadcast_in_dim3A_148 = vector.shape_cast %reduce_min3A_147 : vector<1024xi32> to vector<1024x1xi32>
    %eq3A_149 = vector.broadcast %broadcast_in_dim3A_148 : vector<1024x1xi32> to vector<1024x32xi32>
    %eq3A_150 = arith.cmpi eq, %iota3A, %eq3A_149 : vector<1024x32xi32>
    %jit3A_151 = arith.constant 0xFF800000 : f32
    %broadcast_in_dim3A_152 = vector.broadcast %jit3A_151 : f32 to vector<1024x32xf32>
    %select_n3A_153 = arith.select %eq3A_150, %broadcast_in_dim3A_152, %select_n3A_137 : vector<1024x32xi1>, vector<1024x32xf32>
    %reduce_max3A_154 = arith.constant dense<0xFF800000> : vector<1024xf32>
    %reduce_max3A_155 = vector.multi_reduction <maximumf>, %select_n3A_153, %reduce_max3A_154 [1] : vector<1024x32xf32> to vector<1024xf32>
    %broadcast_in_dim3A_156 = vector.shape_cast %reduce_max3A_155 : vector<1024xf32> to vector<1024x1xf32>
    %eq3A_157 = vector.broadcast %broadcast_in_dim3A_156 : vector<1024x1xf32> to vector<1024x32xf32>
    %eq3A_158 = arith.cmpf oeq, %select_n3A_153, %eq3A_157 : vector<1024x32xf32>
    %jit3A_159 = arith.constant 32 : i32
    %broadcast_in_dim3A_160 = vector.broadcast %jit3A_159 : i32 to vector<1024x32xi32>
    %select_n3A_161 = arith.select %eq3A_158, %iota3A, %broadcast_in_dim3A_160 : vector<1024x32xi1>, vector<1024x32xi32>
    %reduce_min3A_162 = arith.constant dense<2147483647> : vector<1024xi32>
    %reduce_min3A_163 = vector.multi_reduction <minsi>, %select_n3A_161, %reduce_min3A_162 [1] : vector<1024x32xi32> to vector<1024xi32>
    %broadcast_in_dim3A_164 = vector.shape_cast %reduce_min3A_163 : vector<1024xi32> to vector<1024x1xi32>
    %eq3A_165 = vector.broadcast %broadcast_in_dim3A_164 : vector<1024x1xi32> to vector<1024x32xi32>
    %eq3A_166 = arith.cmpi eq, %iota3A, %eq3A_165 : vector<1024x32xi32>
    %jit3A_167 = arith.constant 0xFF800000 : f32
    %broadcast_in_dim3A_168 = vector.broadcast %jit3A_167 : f32 to vector<1024x32xf32>
    %select_n3A_169 = arith.select %eq3A_166, %broadcast_in_dim3A_168, %select_n3A_153 : vector<1024x32xi1>, vector<1024x32xf32>
    %reduce_max3A_170 = arith.constant dense<0xFF800000> : vector<1024xf32>
    %reduce_max3A_171 = vector.multi_reduction <maximumf>, %select_n3A_169, %reduce_max3A_170 [1] : vector<1024x32xf32> to vector<1024xf32>
    %broadcast_in_dim3A_172 = vector.shape_cast %reduce_max3A_171 : vector<1024xf32> to vector<1024x1xf32>
    %eq3A_173 = vector.broadcast %broadcast_in_dim3A_172 : vector<1024x1xf32> to vector<1024x32xf32>
    %eq3A_174 = arith.cmpf oeq, %select_n3A_169, %eq3A_173 : vector<1024x32xf32>
    %jit3A_175 = arith.constant 32 : i32
    %broadcast_in_dim3A_176 = vector.broadcast %jit3A_175 : i32 to vector<1024x32xi32>
    %select_n3A_177 = arith.select %eq3A_174, %iota3A, %broadcast_in_dim3A_176 : vector<1024x32xi1>, vector<1024x32xi32>
    %reduce_min3A_178 = arith.constant dense<2147483647> : vector<1024xi32>
    %reduce_min3A_179 = vector.multi_reduction <minsi>, %select_n3A_177, %reduce_min3A_178 [1] : vector<1024x32xi32> to vector<1024xi32>
    %broadcast_in_dim3A_180 = vector.shape_cast %reduce_min3A_179 : vector<1024xi32> to vector<1024x1xi32>
    %eq3A_181 = vector.broadcast %broadcast_in_dim3A_180 : vector<1024x1xi32> to vector<1024x32xi32>
    %eq3A_182 = arith.cmpi eq, %iota3A, %eq3A_181 : vector<1024x32xi32>
    %jit3A_183 = arith.constant 0xFF800000 : f32
    %broadcast_in_dim3A_184 = vector.broadcast %jit3A_183 : f32 to vector<1024x32xf32>
    %select_n3A_185 = arith.select %eq3A_182, %broadcast_in_dim3A_184, %select_n3A_169 : vector<1024x32xi1>, vector<1024x32xf32>
    %reduce_max3A_186 = arith.constant dense<0xFF800000> : vector<1024xf32>
    %reduce_max3A_187 = vector.multi_reduction <maximumf>, %select_n3A_185, %reduce_max3A_186 [1] : vector<1024x32xf32> to vector<1024xf32>
    %broadcast_in_dim3A_188 = vector.shape_cast %reduce_max3A_187 : vector<1024xf32> to vector<1024x1xf32>
    %eq3A_189 = vector.broadcast %broadcast_in_dim3A_188 : vector<1024x1xf32> to vector<1024x32xf32>
    %eq3A_190 = arith.cmpf oeq, %select_n3A_185, %eq3A_189 : vector<1024x32xf32>
    %jit3A_191 = arith.constant 32 : i32
    %broadcast_in_dim3A_192 = vector.broadcast %jit3A_191 : i32 to vector<1024x32xi32>
    %select_n3A_193 = arith.select %eq3A_190, %iota3A, %broadcast_in_dim3A_192 : vector<1024x32xi1>, vector<1024x32xi32>
    %reduce_min3A_194 = arith.constant dense<2147483647> : vector<1024xi32>
    %reduce_min3A_195 = vector.multi_reduction <minsi>, %select_n3A_193, %reduce_min3A_194 [1] : vector<1024x32xi32> to vector<1024xi32>
    %broadcast_in_dim3A_196 = vector.shape_cast %reduce_min3A_195 : vector<1024xi32> to vector<1024x1xi32>
    %eq3A_197 = vector.broadcast %broadcast_in_dim3A_196 : vector<1024x1xi32> to vector<1024x32xi32>
    %eq3A_198 = arith.cmpi eq, %iota3A, %eq3A_197 : vector<1024x32xi32>
    %jit3A_199 = arith.constant 0xFF800000 : f32
    %broadcast_in_dim3A_200 = vector.broadcast %jit3A_199 : f32 to vector<1024x32xf32>
    %select_n3A_201 = arith.select %eq3A_198, %broadcast_in_dim3A_200, %select_n3A_185 : vector<1024x32xi1>, vector<1024x32xf32>
    %reduce_max3A_202 = arith.constant dense<0xFF800000> : vector<1024xf32>
    %reduce_max3A_203 = vector.multi_reduction <maximumf>, %select_n3A_201, %reduce_max3A_202 [1] : vector<1024x32xf32> to vector<1024xf32>
    %broadcast_in_dim3A_204 = vector.shape_cast %reduce_max3A_203 : vector<1024xf32> to vector<1024x1xf32>
    %eq3A_205 = vector.broadcast %broadcast_in_dim3A_204 : vector<1024x1xf32> to vector<1024x32xf32>
    %eq3A_206 = arith.cmpf oeq, %select_n3A_201, %eq3A_205 : vector<1024x32xf32>
    %jit3A_207 = arith.constant 32 : i32
    %broadcast_in_dim3A_208 = vector.broadcast %jit3A_207 : i32 to vector<1024x32xi32>
    %select_n3A_209 = arith.select %eq3A_206, %iota3A, %broadcast_in_dim3A_208 : vector<1024x32xi1>, vector<1024x32xi32>
    %reduce_min3A_210 = arith.constant dense<2147483647> : vector<1024xi32>
    %reduce_min3A_211 = vector.multi_reduction <minsi>, %select_n3A_209, %reduce_min3A_210 [1] : vector<1024x32xi32> to vector<1024xi32>
    %broadcast_in_dim3A_212 = vector.shape_cast %reduce_min3A_211 : vector<1024xi32> to vector<1024x1xi32>
    %eq3A_213 = vector.broadcast %broadcast_in_dim3A_212 : vector<1024x1xi32> to vector<1024x32xi32>
    %eq3A_214 = arith.cmpi eq, %iota3A, %eq3A_213 : vector<1024x32xi32>
    %jit3A_215 = arith.constant 0xFF800000 : f32
    %broadcast_in_dim3A_216 = vector.broadcast %jit3A_215 : f32 to vector<1024x32xf32>
    %select_n3A_217 = arith.select %eq3A_214, %broadcast_in_dim3A_216, %select_n3A_201 : vector<1024x32xi1>, vector<1024x32xf32>
    %reduce_max3A_218 = arith.constant dense<0xFF800000> : vector<1024xf32>
    %reduce_max3A_219 = vector.multi_reduction <maximumf>, %select_n3A_217, %reduce_max3A_218 [1] : vector<1024x32xf32> to vector<1024xf32>
    %broadcast_in_dim3A_220 = vector.shape_cast %reduce_max3A_219 : vector<1024xf32> to vector<1024x1xf32>
    %eq3A_221 = vector.broadcast %broadcast_in_dim3A_220 : vector<1024x1xf32> to vector<1024x32xf32>
    %eq3A_222 = arith.cmpf oeq, %select_n3A_217, %eq3A_221 : vector<1024x32xf32>
    %jit3A_223 = arith.constant 32 : i32
    %broadcast_in_dim3A_224 = vector.broadcast %jit3A_223 : i32 to vector<1024x32xi32>
    %select_n3A_225 = arith.select %eq3A_222, %iota3A, %broadcast_in_dim3A_224 : vector<1024x32xi1>, vector<1024x32xi32>
    %reduce_min3A_226 = arith.constant dense<2147483647> : vector<1024xi32>
    %reduce_min3A_227 = vector.multi_reduction <minsi>, %select_n3A_225, %reduce_min3A_226 [1] : vector<1024x32xi32> to vector<1024xi32>
    %broadcast_in_dim3A_228 = vector.shape_cast %reduce_min3A_227 : vector<1024xi32> to vector<1024x1xi32>
    %concatenate3A_229 = tpu.concatenate %broadcast_in_dim3A_116, %broadcast_in_dim3A_132, %broadcast_in_dim3A_148, %broadcast_in_dim3A_164, %broadcast_in_dim3A_180, %broadcast_in_dim3A_196, %broadcast_in_dim3A_212, %broadcast_in_dim3A_228 in 1 : vector<1024x1xi32>, vector<1024x1xi32>, vector<1024x1xi32>, vector<1024x1xi32>, vector<1024x1xi32>, vector<1024x1xi32>, vector<1024x1xi32>, vector<1024x1xi32> -> vector<1024x8xi32>
    %mul3A_230 = arith.constant 1024 : i32
    %mul3A_231 = arith.muli %arg0, %mul3A_230 : i32
    %iota3A_232 = tpu.iota {dimensions = array<i32: 0>} : vector<1024x8xi32>
    %add3A_233 = vector.broadcast %mul3A_231 : i32 to vector<1024x8xi32>
    %add3A_234 = arith.addi %add3A_233, %iota3A_232 : vector<1024x8xi32>
    %mul3A_235 = arith.constant 32 : i32
    %mul3A_236 = vector.broadcast %mul3A_235 : i32 to vector<1024x8xi32>
    %mul3A_237 = arith.muli %add3A_234, %mul3A_236 : vector<1024x8xi32>
    %add3A_238 = arith.addi %mul3A_237, %concatenate3A_229 : vector<1024x8xi32>
    %swap3A = arith.constant 0 : index
    %swap3A_239 = arith.constant 0 : index
    %swap3A_240 = vector.load %arg5[%swap3A, %swap3A_239] : memref<1024x8xi32, #tpu.memory_space<vmem>>, vector<1024x8xi32>
    tpu.vector_store %arg5[%swap3A, %swap3A_239], %add3A_238 {strides = array<i32>} : memref<1024x8xi32, #tpu.memory_space<vmem>>, vector<1024x8xi32>,
    %shift_right_arithmetic3A = arith.constant 1 : i32
    %shift_right_arithmetic3A_241 = vector.broadcast %shift_right_arithmetic3A : i32 to vector<1024x8xi32>
    %shift_right_arithmetic3A_242 = arith.shrsi %add3A_238, %shift_right_arithmetic3A_241 : vector<1024x8xi32>
    %transpose3A = tpu.transpose %shift_right_arithmetic3A_242, [1, 0] : vector<1024x8xi32> -> vector<8x1024xi32>
    %swap3A_243 = arith.constant 0 : index
    %swap3A_244 = arith.constant 0 : index
    %swap3A_245 = vector.load %arg6[%swap3A_243, %swap3A_244] : memref<8x1024xi32, #tpu.memory_space<vmem>>, vector<8x1024xi32>
    tpu.vector_store %arg6[%swap3A_243, %swap3A_244], %transpose3A {strides = array<i32>} : memref<8x1024xi32, #tpu.memory_space<vmem>>, vector<8x1024xi32>,
    return
  }
  func.func @transform_0(%arg0: i32) -> (i32, i32) {
    %c0_i32 = arith.constant 0 : i32
    %c0_i32_0 = arith.constant 0 : i32
    return %arg0, %c0_i32 : i32, i32
  }
  func.func @transform_1(%arg0: i32) -> (i32, i32) {
    %c0_i32 = arith.constant 0 : i32
    %c0_i32_0 = arith.constant 0 : i32
    %c0_i32_1 = arith.constant 0 : i32
    return %c0_i32, %c0_i32_0 : i32, i32
  }
  func.func @transform_2(%arg0: i32) -> (i32, i32) {
    %c0_i32 = arith.constant 0 : i32
    %c0_i32_0 = arith.constant 0 : i32
    %c0_i32_1 = arith.constant 0 : i32
    return %c0_i32, %c0_i32_0 : i32, i32
  }
  func.func @transform_3(%arg0: i32) -> (i32, i32) {
    %c0_i32 = arith.constant 0 : i32
    %c0_i32_0 = arith.constant 0 : i32
    %c0_i32_1 = arith.constant 0 : i32
    return %c0_i32, %c0_i32_0 : i32, i32
  }
  func.func @transform_4(%arg0: i32) -> (i32, i32) {
    %c0_i32 = arith.constant 0 : i32
    %c0_i32_0 = arith.constant 0 : i32
    return %arg0, %c0_i32 : i32, i32
  }
  func.func @transform_5(%arg0: i32) -> (i32, i32) {
    %c0_i32 = arith.constant 0 : i32
    %c0_i32_0 = arith.constant 0 : i32
    return %c0_i32, %arg0 : i32, i32
  }
}

module attributes {stable_mosaic.version = 14 : i64} {
  func.func @_proj_kernel(%arg0: i32, %arg1: memref<8x1024x128xf32, #tpu.memory_space<vmem>>, %arg2: memref<1024x8xi32, #tpu.memory_space<vmem>>, %arg3: memref<512x2048xf32, #tpu.memory_space<vmem>>, %arg4: memref<1x2048xf32, #tpu.memory_space<vmem>>, %arg5: memref<1024x2048xf32, #tpu.memory_space<vmem>>) attributes {dimension_semantics = [#tpu.dimension_semantics<parallel>], iteration_bounds = array<i64: 8>, scalar_prefetch = 0 : i64, scratch_operands = 0 : i64, tpu.core_type = #tpu.core_type<tc>, window_params = [{transform_indices = @transform_0, window_bounds = array<i64: 8, 1024, 128>}, {transform_indices = @transform_1, window_bounds = array<i64: 1024, 8>}, {pipeline_mode = #tpu.pipeline_mode<synchronous>, transform_indices = @transform_2, window_bounds = array<i64: 512, 2048>}, {pipeline_mode = #tpu.pipeline_mode<synchronous>, transform_indices = @transform_3, window_bounds = array<i64: 1, 2048>}, {transform_indices = @transform_4, window_bounds = array<i64: 1024, 2048>}]} {
    %get3A = arith.constant 0 : index
    %get3A_0 = arith.constant 0 : index
    %get3A_1 = arith.constant 0 : index
    %get3A_2 = vector.load %arg1[%get3A, %get3A_0, %get3A_1] : memref<8x1024x128xf32, #tpu.memory_space<vmem>>, vector<8x1024x128xf32>
    %get3A_3 = arith.constant 0 : index
    %get3A_4 = arith.constant 0 : index
    %get3A_5 = vector.load %arg2[%get3A_3, %get3A_4] : memref<1024x8xi32, #tpu.memory_space<vmem>>, vector<1024x8xi32>
    %and3A = arith.constant 1 : i32
    %and3A_6 = vector.broadcast %and3A : i32 to vector<1024x8xi32>
    %and3A_7 = arith.andi %get3A_5, %and3A_6 : vector<1024x8xi32>
    %slice3A = vector.extract_strided_slice %get3A_2 {offsets = [0, 0, 0], sizes = [1, 1024, 128], strides = [1, 1, 1]} : vector<8x1024x128xf32> to vector<1x1024x128xf32>
    %squeeze3A = vector.shape_cast %slice3A : vector<1x1024x128xf32> to vector<1024x128xf32>
    %slice3A_8 = vector.extract_strided_slice %and3A_7 {offsets = [0, 0], sizes = [1024, 1], strides = [1, 1]} : vector<1024x8xi32> to vector<1024x1xi32>
    %eq3A = arith.constant 1 : i32
    %eq3A_9 = vector.broadcast %eq3A : i32 to vector<1024x1xi32>
    %eq3A_10 = arith.cmpi eq, %slice3A_8, %eq3A_9 : vector<1024x1xi32>
    %slice3A_11 = vector.extract_strided_slice %squeeze3A {offsets = [0, 64], sizes = [1024, 64], strides = [1, 1]} : vector<1024x128xf32> to vector<1024x64xf32>
    %slice3A_12 = vector.extract_strided_slice %squeeze3A {offsets = [0, 0], sizes = [1024, 64], strides = [1, 1]} : vector<1024x128xf32> to vector<1024x64xf32>
    %broadcast_in_dim3A = vector.shape_cast %eq3A_10 : vector<1024x1xi1> to vector<1024x1xi1>
    %broadcast_in_dim3A_13 = vector.broadcast %broadcast_in_dim3A : vector<1024x1xi1> to vector<1024x64xi1>
    %select_n3A = arith.select %broadcast_in_dim3A_13, %slice3A_11, %slice3A_12 : vector<1024x64xi1>, vector<1024x64xf32>
    %slice3A_14 = vector.extract_strided_slice %get3A_2 {offsets = [1, 0, 0], sizes = [1, 1024, 128], strides = [1, 1, 1]} : vector<8x1024x128xf32> to vector<1x1024x128xf32>
    %squeeze3A_15 = vector.shape_cast %slice3A_14 : vector<1x1024x128xf32> to vector<1024x128xf32>
    %slice3A_16 = vector.extract_strided_slice %and3A_7 {offsets = [0, 1], sizes = [1024, 1], strides = [1, 1]} : vector<1024x8xi32> to vector<1024x1xi32>
    %eq3A_17 = arith.constant 1 : i32
    %eq3A_18 = vector.broadcast %eq3A_17 : i32 to vector<1024x1xi32>
    %eq3A_19 = arith.cmpi eq, %slice3A_16, %eq3A_18 : vector<1024x1xi32>
    %slice3A_20 = vector.extract_strided_slice %squeeze3A_15 {offsets = [0, 64], sizes = [1024, 64], strides = [1, 1]} : vector<1024x128xf32> to vector<1024x64xf32>
    %slice3A_21 = vector.extract_strided_slice %squeeze3A_15 {offsets = [0, 0], sizes = [1024, 64], strides = [1, 1]} : vector<1024x128xf32> to vector<1024x64xf32>
    %broadcast_in_dim3A_22 = vector.shape_cast %eq3A_19 : vector<1024x1xi1> to vector<1024x1xi1>
    %broadcast_in_dim3A_23 = vector.broadcast %broadcast_in_dim3A_22 : vector<1024x1xi1> to vector<1024x64xi1>
    %select_n3A_24 = arith.select %broadcast_in_dim3A_23, %slice3A_20, %slice3A_21 : vector<1024x64xi1>, vector<1024x64xf32>
    %slice3A_25 = vector.extract_strided_slice %get3A_2 {offsets = [2, 0, 0], sizes = [1, 1024, 128], strides = [1, 1, 1]} : vector<8x1024x128xf32> to vector<1x1024x128xf32>
    %squeeze3A_26 = vector.shape_cast %slice3A_25 : vector<1x1024x128xf32> to vector<1024x128xf32>
    %slice3A_27 = vector.extract_strided_slice %and3A_7 {offsets = [0, 2], sizes = [1024, 1], strides = [1, 1]} : vector<1024x8xi32> to vector<1024x1xi32>
    %eq3A_28 = arith.constant 1 : i32
    %eq3A_29 = vector.broadcast %eq3A_28 : i32 to vector<1024x1xi32>
    %eq3A_30 = arith.cmpi eq, %slice3A_27, %eq3A_29 : vector<1024x1xi32>
    %slice3A_31 = vector.extract_strided_slice %squeeze3A_26 {offsets = [0, 64], sizes = [1024, 64], strides = [1, 1]} : vector<1024x128xf32> to vector<1024x64xf32>
    %slice3A_32 = vector.extract_strided_slice %squeeze3A_26 {offsets = [0, 0], sizes = [1024, 64], strides = [1, 1]} : vector<1024x128xf32> to vector<1024x64xf32>
    %broadcast_in_dim3A_33 = vector.shape_cast %eq3A_30 : vector<1024x1xi1> to vector<1024x1xi1>
    %broadcast_in_dim3A_34 = vector.broadcast %broadcast_in_dim3A_33 : vector<1024x1xi1> to vector<1024x64xi1>
    %select_n3A_35 = arith.select %broadcast_in_dim3A_34, %slice3A_31, %slice3A_32 : vector<1024x64xi1>, vector<1024x64xf32>
    %slice3A_36 = vector.extract_strided_slice %get3A_2 {offsets = [3, 0, 0], sizes = [1, 1024, 128], strides = [1, 1, 1]} : vector<8x1024x128xf32> to vector<1x1024x128xf32>
    %squeeze3A_37 = vector.shape_cast %slice3A_36 : vector<1x1024x128xf32> to vector<1024x128xf32>
    %slice3A_38 = vector.extract_strided_slice %and3A_7 {offsets = [0, 3], sizes = [1024, 1], strides = [1, 1]} : vector<1024x8xi32> to vector<1024x1xi32>
    %eq3A_39 = arith.constant 1 : i32
    %eq3A_40 = vector.broadcast %eq3A_39 : i32 to vector<1024x1xi32>
    %eq3A_41 = arith.cmpi eq, %slice3A_38, %eq3A_40 : vector<1024x1xi32>
    %slice3A_42 = vector.extract_strided_slice %squeeze3A_37 {offsets = [0, 64], sizes = [1024, 64], strides = [1, 1]} : vector<1024x128xf32> to vector<1024x64xf32>
    %slice3A_43 = vector.extract_strided_slice %squeeze3A_37 {offsets = [0, 0], sizes = [1024, 64], strides = [1, 1]} : vector<1024x128xf32> to vector<1024x64xf32>
    %broadcast_in_dim3A_44 = vector.shape_cast %eq3A_41 : vector<1024x1xi1> to vector<1024x1xi1>
    %broadcast_in_dim3A_45 = vector.broadcast %broadcast_in_dim3A_44 : vector<1024x1xi1> to vector<1024x64xi1>
    %select_n3A_46 = arith.select %broadcast_in_dim3A_45, %slice3A_42, %slice3A_43 : vector<1024x64xi1>, vector<1024x64xf32>
    %slice3A_47 = vector.extract_strided_slice %get3A_2 {offsets = [4, 0, 0], sizes = [1, 1024, 128], strides = [1, 1, 1]} : vector<8x1024x128xf32> to vector<1x1024x128xf32>
    %squeeze3A_48 = vector.shape_cast %slice3A_47 : vector<1x1024x128xf32> to vector<1024x128xf32>
    %slice3A_49 = vector.extract_strided_slice %and3A_7 {offsets = [0, 4], sizes = [1024, 1], strides = [1, 1]} : vector<1024x8xi32> to vector<1024x1xi32>
    %eq3A_50 = arith.constant 1 : i32
    %eq3A_51 = vector.broadcast %eq3A_50 : i32 to vector<1024x1xi32>
    %eq3A_52 = arith.cmpi eq, %slice3A_49, %eq3A_51 : vector<1024x1xi32>
    %slice3A_53 = vector.extract_strided_slice %squeeze3A_48 {offsets = [0, 64], sizes = [1024, 64], strides = [1, 1]} : vector<1024x128xf32> to vector<1024x64xf32>
    %slice3A_54 = vector.extract_strided_slice %squeeze3A_48 {offsets = [0, 0], sizes = [1024, 64], strides = [1, 1]} : vector<1024x128xf32> to vector<1024x64xf32>
    %broadcast_in_dim3A_55 = vector.shape_cast %eq3A_52 : vector<1024x1xi1> to vector<1024x1xi1>
    %broadcast_in_dim3A_56 = vector.broadcast %broadcast_in_dim3A_55 : vector<1024x1xi1> to vector<1024x64xi1>
    %select_n3A_57 = arith.select %broadcast_in_dim3A_56, %slice3A_53, %slice3A_54 : vector<1024x64xi1>, vector<1024x64xf32>
    %slice3A_58 = vector.extract_strided_slice %get3A_2 {offsets = [5, 0, 0], sizes = [1, 1024, 128], strides = [1, 1, 1]} : vector<8x1024x128xf32> to vector<1x1024x128xf32>
    %squeeze3A_59 = vector.shape_cast %slice3A_58 : vector<1x1024x128xf32> to vector<1024x128xf32>
    %slice3A_60 = vector.extract_strided_slice %and3A_7 {offsets = [0, 5], sizes = [1024, 1], strides = [1, 1]} : vector<1024x8xi32> to vector<1024x1xi32>
    %eq3A_61 = arith.constant 1 : i32
    %eq3A_62 = vector.broadcast %eq3A_61 : i32 to vector<1024x1xi32>
    %eq3A_63 = arith.cmpi eq, %slice3A_60, %eq3A_62 : vector<1024x1xi32>
    %slice3A_64 = vector.extract_strided_slice %squeeze3A_59 {offsets = [0, 64], sizes = [1024, 64], strides = [1, 1]} : vector<1024x128xf32> to vector<1024x64xf32>
    %slice3A_65 = vector.extract_strided_slice %squeeze3A_59 {offsets = [0, 0], sizes = [1024, 64], strides = [1, 1]} : vector<1024x128xf32> to vector<1024x64xf32>
    %broadcast_in_dim3A_66 = vector.shape_cast %eq3A_63 : vector<1024x1xi1> to vector<1024x1xi1>
    %broadcast_in_dim3A_67 = vector.broadcast %broadcast_in_dim3A_66 : vector<1024x1xi1> to vector<1024x64xi1>
    %select_n3A_68 = arith.select %broadcast_in_dim3A_67, %slice3A_64, %slice3A_65 : vector<1024x64xi1>, vector<1024x64xf32>
    %slice3A_69 = vector.extract_strided_slice %get3A_2 {offsets = [6, 0, 0], sizes = [1, 1024, 128], strides = [1, 1, 1]} : vector<8x1024x128xf32> to vector<1x1024x128xf32>
    %squeeze3A_70 = vector.shape_cast %slice3A_69 : vector<1x1024x128xf32> to vector<1024x128xf32>
    %slice3A_71 = vector.extract_strided_slice %and3A_7 {offsets = [0, 6], sizes = [1024, 1], strides = [1, 1]} : vector<1024x8xi32> to vector<1024x1xi32>
    %eq3A_72 = arith.constant 1 : i32
    %eq3A_73 = vector.broadcast %eq3A_72 : i32 to vector<1024x1xi32>
    %eq3A_74 = arith.cmpi eq, %slice3A_71, %eq3A_73 : vector<1024x1xi32>
    %slice3A_75 = vector.extract_strided_slice %squeeze3A_70 {offsets = [0, 64], sizes = [1024, 64], strides = [1, 1]} : vector<1024x128xf32> to vector<1024x64xf32>
    %slice3A_76 = vector.extract_strided_slice %squeeze3A_70 {offsets = [0, 0], sizes = [1024, 64], strides = [1, 1]} : vector<1024x128xf32> to vector<1024x64xf32>
    %broadcast_in_dim3A_77 = vector.shape_cast %eq3A_74 : vector<1024x1xi1> to vector<1024x1xi1>
    %broadcast_in_dim3A_78 = vector.broadcast %broadcast_in_dim3A_77 : vector<1024x1xi1> to vector<1024x64xi1>
    %select_n3A_79 = arith.select %broadcast_in_dim3A_78, %slice3A_75, %slice3A_76 : vector<1024x64xi1>, vector<1024x64xf32>
    %slice3A_80 = vector.extract_strided_slice %get3A_2 {offsets = [7, 0, 0], sizes = [1, 1024, 128], strides = [1, 1, 1]} : vector<8x1024x128xf32> to vector<1x1024x128xf32>
    %squeeze3A_81 = vector.shape_cast %slice3A_80 : vector<1x1024x128xf32> to vector<1024x128xf32>
    %slice3A_82 = vector.extract_strided_slice %and3A_7 {offsets = [0, 7], sizes = [1024, 1], strides = [1, 1]} : vector<1024x8xi32> to vector<1024x1xi32>
    %eq3A_83 = arith.constant 1 : i32
    %eq3A_84 = vector.broadcast %eq3A_83 : i32 to vector<1024x1xi32>
    %eq3A_85 = arith.cmpi eq, %slice3A_82, %eq3A_84 : vector<1024x1xi32>
    %slice3A_86 = vector.extract_strided_slice %squeeze3A_81 {offsets = [0, 64], sizes = [1024, 64], strides = [1, 1]} : vector<1024x128xf32> to vector<1024x64xf32>
    %slice3A_87 = vector.extract_strided_slice %squeeze3A_81 {offsets = [0, 0], sizes = [1024, 64], strides = [1, 1]} : vector<1024x128xf32> to vector<1024x64xf32>
    %broadcast_in_dim3A_88 = vector.shape_cast %eq3A_85 : vector<1024x1xi1> to vector<1024x1xi1>
    %broadcast_in_dim3A_89 = vector.broadcast %broadcast_in_dim3A_88 : vector<1024x1xi1> to vector<1024x64xi1>
    %select_n3A_90 = arith.select %broadcast_in_dim3A_89, %slice3A_86, %slice3A_87 : vector<1024x64xi1>, vector<1024x64xf32>
    %concatenate3A = tpu.concatenate %select_n3A, %select_n3A_24, %select_n3A_35, %select_n3A_46, %select_n3A_57, %select_n3A_68, %select_n3A_79, %select_n3A_90 in 1 : vector<1024x64xf32>, vector<1024x64xf32>, vector<1024x64xf32>, vector<1024x64xf32>, vector<1024x64xf32>, vector<1024x64xf32>, vector<1024x64xf32>, vector<1024x64xf32> -> vector<1024x512xf32>
    %get3A_91 = arith.constant 0 : index
    %get3A_92 = arith.constant 0 : index
    %get3A_93 = vector.load %arg3[%get3A_91, %get3A_92] : memref<512x2048xf32, #tpu.memory_space<vmem>>, vector<512x2048xf32>
    %dot_general3A = arith.constant dense<0.000000e+00> : vector<1024x2048xf32>
    %dot_general3A_94 = tpu.matmul %concatenate3A, %get3A_93, %dot_general3A {dimension_numbers = #tpu.dot_dimension_numbers<[1], [0], [0], [1], [0, 0, 1, 1], [], []>, transpose_lhs_hint = false} : vector<1024x512xf32>, vector<512x2048xf32>, vector<1024x2048xf32> -> vector<1024x2048xf32>
    %get3A_95 = arith.constant 0 : index
    %get3A_96 = arith.constant 0 : index
    %get3A_97 = vector.load %arg4[%get3A_95, %get3A_96] : memref<1x2048xf32, #tpu.memory_space<vmem>>, vector<1x2048xf32>
    %add3A = vector.broadcast %get3A_97 : vector<1x2048xf32> to vector<1024x2048xf32>
    %add3A_98 = arith.addf %dot_general3A_94, %add3A : vector<1024x2048xf32>
    %swap3A = arith.constant 0 : index
    %swap3A_99 = arith.constant 0 : index
    %swap3A_100 = vector.load %arg5[%swap3A, %swap3A_99] : memref<1024x2048xf32, #tpu.memory_space<vmem>>, vector<1024x2048xf32>
    tpu.vector_store %arg5[%swap3A, %swap3A_99], %add3A_98 {strides = array<i32>} : memref<1024x2048xf32, #tpu.memory_space<vmem>>, vector<1024x2048xf32>,
    return
  }
  func.func @transform_0(%arg0: i32) -> (i32, i32, i32) {
    %c0_i32 = arith.constant 0 : i32
    %c0_i32_0 = arith.constant 0 : i32
    %c0_i32_1 = arith.constant 0 : i32
    return %c0_i32, %arg0, %c0_i32_0 : i32, i32, i32
  }
  func.func @transform_1(%arg0: i32) -> (i32, i32) {
    %c0_i32 = arith.constant 0 : i32
    %c0_i32_0 = arith.constant 0 : i32
    return %arg0, %c0_i32 : i32, i32
  }
  func.func @transform_2(%arg0: i32) -> (i32, i32) {
    %c0_i32 = arith.constant 0 : i32
    %c0_i32_0 = arith.constant 0 : i32
    %c0_i32_1 = arith.constant 0 : i32
    return %c0_i32, %c0_i32_0 : i32, i32
  }
  func.func @transform_3(%arg0: i32) -> (i32, i32) {
    %c0_i32 = arith.constant 0 : i32
    %c0_i32_0 = arith.constant 0 : i32
    %c0_i32_1 = arith.constant 0 : i32
    return %c0_i32, %c0_i32_0 : i32, i32
  }
  func.func @transform_4(%arg0: i32) -> (i32, i32) {
    %c0_i32 = arith.constant 0 : i32
    %c0_i32_0 = arith.constant 0 : i32
    return %arg0, %c0_i32 : i32, i32
  }
}

</mosaic_0001>

<sc_bundles>
// kernel: kernel.5.cloned.1.call-start
scs
__scs_entry_jumppad:
0x0: {  	(pc) =	sbr.rel $0x88, $3  }
0x1: {  	(tag) =	ssettag $0x0;
	lr =	simm.s32 $0x1  }
0x2: {  	[smem:$0x3F9B] =	sst lr;
	_ =	strace $0xD0000000  }
0x3: {  	_ = 	snop  }
0x4: {  	_ = 	snop  }
0x5: {  	_ = 	snop  }
0x6: {  	_ = 	snop  }
0x7: {  	_ = 	snop  }
__scs_overlays_trampoline_lowered:
0x8: {  	[smem:$0x3FAA] =	sst s0  }
0x9: {  	[smem:$0x3FAB] =	sst s1  }
0xa: {  	[smem:$0x3FAC] =	sst s2  }
0xb: {  	[smem:$0x3FAD] =	sst s3  }
0xc: {  	[smem:$0x3FAE] =	sst s4  }
0xd: {  	[smem:$0x3FAF] =	sst s5  }
0xe: {  	[smem:$0x3FB0] =	sst s6  }
0xf: {  	[smem:$0x3FB1] =	sst s7  }
0x10: {  	[smem:$0x3FB2] =	sst s8  }
0x11: {  	[smem:$0x3FB3] =	sst s9;
	s0 =	simm.s32 @!p0 $0x0  }
0x12: {  	s1 =	sld [smem:$0x3F99];
	s0 =	simm.s32 @p0 $0x1  }
0x13: {  	[smem:$0x3FB4] =	sst s0;
	s0 =	simm.s32 @!p1 $0x0  }
0x14: {  	s2 =	sld [smem:$0x3F98];
	s0 =	simm.s32 @p1 $0x1  }
0x15: {  	[smem:$0x3FB5] =	sst s0;
	s0 =	simm.s32 @!p2 $0x0  }
0x16: {  	s3 =	sld [smem:$0x3FDB];
	s0 =	simm.s32 @p2 $0x1  }
0x17: {  	s4 =	simm.s32 $0x1BF5;
	[smem:$0x3FB7] =	sst s0  }
0x18: {  	s0 =	sld [smem:$0x3F9A];
	_ =	swait.ge [sflag:s4], $0x0  }
0x19: {  	s7 =	sld [smem:$0x3F9B]  }
0x1a: {  	s8 =	sadd.s32 $0xFFFFE003, lr  }
0x1b: {  	s9 =	sadd.s32 $0xFFFFFEF7, lr;
	s5 =	simm.s32 $0xFFFFFFFF;
	p2 =	slt.u32 s8, $0xFFFFF086  }
0x1c: {  	p1 =	slt.u32 s9, $0xF7A;
	s5 =	simm.s32 @!p2 $0x0  }
0x1d: {  	s5 =	simm.s32 @p1 $0x1;
	p0 =	seq.s32 s7, s2  }
0x1e: {  	s7 =	smul.u32 @!p0 $0xF7A, s2;
	p2 =	seq.s32 @!p0 s5, $0x0  }
0x1f: {  	s9 =	smul.u32 $0xF7A, s1;
	s8 =	simm.s32 @!p0 $0x1BF5;
	p2 =	por !p2, p0  }
0x20: {  	[sflag:s8] =	ssyncset.s32 @!p0 $0xFFFFF086;
	s6 =	sadd.s32 @!p0 s3, s7;
	s7 =	simm.s32 @!p0 $0x108  }
0x21: {  	s3 =	sadd.s32 s3, s9;
	s6 =	sadd.s32 @!p0 $0x88, s6;
	s7 =	simm.s32 @p2 $0x1082  }
0x22: {  	[simem:s7], [sflag:s8] =	dma.local @!p0 [hbm:s6], $0xF7A  }
0x23: {  	s9 =	sor.u32 $0xD0000000, s2;
	s6 =	simm.s32 $0x108;
	_ =	swait.ge @!p0 [sflag:s8], $0x0  }
0x24: {  	s3 =	sadd.s32 $0x88, s3;
	s6 =	simm.s32 @!p1 $0x1082;
	[sflag:s4] =	ssyncset.s32 $0xFFFFF086  }
0x25: {  	[simem:s6], [sflag:s4] =	dma.local [hbm:s3], $0xF7A  }
0x26: {  	[smem:$0x3F9B] =	sst s1;
	(tag) =	ssettag s2;
	_ =	strace s9  }
0x27: {  	s1 =	sld [smem:$0x3FAB]  }
0x28: {  	s2 =	sld [smem:$0x3FAC]  }
0x29: {  	s4 =	sld [smem:$0x3FAE]  }
0x2a: {  	p0 =	seq.s32 s5, $0x0;
	s5 =	sld [smem:$0x3FAF]  }
0x2b: {  	s6 =	sld [smem:$0x3FB0]  }
0x2c: {  	s7 =	sld [smem:$0x3FB1]  }
0x2d: {  	s3 =	simm.s32 $0x108;
	s8 =	sld [smem:$0x3FB2]  }
0x2e: {  	s3 =	simm.s32 @!p0 $0x1082;
	s9 =	sld [smem:$0x3FB3]  }
0x2f: {  	lr =	sadd.s32 s0, s3;
	s0 =	sld [smem:$0x3FAA]  }
0x30: {  	s3 =	sld [smem:$0x3FAD]  }
0x31: {  	[smem:$0x3FB6] =	sst s10  }
0x32: {  	s10 =	sld [smem:$0x3FB4];
	_ =	sdelay $0x3  }
0x33: {  	p0 =	seq.s32 s10, $0x1;
	s10 =	sld [smem:$0x3FB6];
	_ =	sdelay $0x3  }
0x34: {  	[smem:$0x3FB6] =	sst s10  }
0x35: {  	s10 =	sld [smem:$0x3FB5];
	_ =	sdelay $0x3  }
0x36: {  	p1 =	seq.s32 s10, $0x1;
	s10 =	sld [smem:$0x3FB6];
	_ =	sdelay $0x3  }
0x37: {  	[smem:$0x3FB6] =	sst s10  }
0x38: {  	s10 =	sld [smem:$0x3FB7]  }
0x39: {  	_ = 	snop;
	(pc) =	sbr.ind lr, $3  }
0x3a: {  	_ = 	snop  }
0x3b: {  	_ = 	snop  }
0x3c: {  	p2 =	seq.s32 s10, $0x1;
	s10 =	sld [smem:$0x3FB6]  }
0x3d: {  	_ =	shalt  }
0x3e: {  	_ =	shalt  }
0x3f: {  	_ =	shalt  }
0x40: {  	_ =	shalt  }
0x41: {  	_ =	shalt  }
0x42: {  	_ =	shalt  }
0x43: {  	_ =	shalt  }
0x44: {  	_ =	shalt  }
0x45: {  	_ =	shalt  }
0x46: {  	_ =	shalt  }
0x47: {  	_ =	shalt  }
0x48: {  	_ =	shalt  }
0x49: {  	_ =	shalt  }
0x4a: {  	_ =	shalt  }
0x4b: {  	_ =	shalt  }
0x4c: {  	_ =	shalt  }
0x4d: {  	_ =	shalt  }
0x4e: {  	_ =	shalt  }
0x4f: {  	_ =	shalt  }
0x50: {  	_ =	shalt  }
0x51: {  	_ =	shalt  }
0x52: {  	_ =	shalt  }
0x53: {  	_ =	shalt  }
0x54: {  	_ =	shalt  }
0x55: {  	_ =	shalt  }
0x56: {  	_ =	shalt  }
0x57: {  	_ =	shalt  }
0x58: {  	_ =	shalt  }
0x59: {  	_ =	shalt  }
0x5a: {  	_ =	shalt  }
0x5b: {  	_ =	shalt  }
0x5c: {  	_ =	shalt  }
0x5d: {  	_ =	shalt  }
0x5e: {  	_ =	shalt  }
0x5f: {  	_ =	shalt  }
0x60: {  	_ =	shalt  }
0x61: {  	_ =	shalt  }
0x62: {  	_ =	shalt  }
0x63: {  	_ =	shalt  }
0x64: {  	_ =	shalt  }
0x65: {  	_ =	shalt  }
0x66: {  	_ =	shalt  }
0x67: {  	_ =	shalt  }
0x68: {  	_ =	shalt  }
0x69: {  	_ =	shalt  }
0x6a: {  	_ =	shalt  }
0x6b: {  	_ =	shalt  }
0x6c: {  	_ =	shalt  }
0x6d: {  	_ =	shalt  }
0x6e: {  	_ =	shalt  }
0x6f: {  	_ =	shalt  }
0x70: {  	_ =	shalt  }
0x71: {  	_ =	shalt  }
0x72: {  	_ =	shalt  }
0x73: {  	_ =	shalt  }
0x74: {  	_ =	shalt  }
0x75: {  	_ =	shalt  }
0x76: {  	_ =	shalt  }
0x77: {  	_ =	shalt  }
0x78: {  	_ =	shalt  }
0x79: {  	_ =	shalt  }
0x7a: {  	_ =	shalt  }
0x7b: {  	_ =	shalt  }
0x7c: {  	_ =	shalt  }
0x7d: {  	_ =	shalt  }
0x7e: {  	_ =	shalt  }
0x7f: {  	_ =	shalt  }
0x80: {  	_ =	shalt  }
0x81: {  	_ =	shalt  }
0x82: {  	_ =	shalt  }
0x83: {  	_ =	shalt  }
0x84: {  	_ =	shalt  }
0x85: {  	_ =	shalt  }
0x86: {  	_ =	shalt  }
0x87: {  	_ =	shalt  }
.Lfunc_end0:
.L_simem_size_0:
called_computation_lowered:
.L_overlay_start_0:
0x88: {  	s2 =	sld [smem:$0x3FD9]  }
0x89: {  	s3 =	sld [smem:$0x3FFE];
	_ =	sdelay $0x1  }
0x8a: {  	s1 =	srdreg.scid  }
0x8b: {  	s0 =	sand.u32 $0x1, s1  }
0x8c: {  	s17 =	sshll.u32 s0, $0xA;
	s2 =	sadd.s32 s3, s2  }
0x8d: {  	s2 =	sadd.s32 s2, s17  }
0x8e: {  	[smem:$0x3FC2] =	sst s2  }
0x8f: {  	_ = 	snop  }
0x90: {  	s2 =	sld [smem:$0x3FD0];
	(tm) =	ssettm $0x1  }
0x91: {  	s18 =	sld [smem:$0x3FFB];
	_ =	sdelay $0x3  }
0x92: {  	_ =	strace s18  }
0x93: {  	s3 =	sld [smem:$0x3FFC];
	_ =	sdelay $0x3  }
0x94: {  	_ =	strace s3  }
0x95: {  	s3 =	sld [smem:$0x3FFD];
	_ =	sdelay $0x3  }
0x96: {  	_ =	strace s3  }
0x97: {  	_ =	strace $0x8FFFFFFF  }
0x98: {  	s19 =	sld [smem:$0x3FDB];
	_ =	sdelay $0x1  }
0x99: {  	s4 =	simm.s32 $_scs_section_size  }
0x9a: {  	s5 =	simm.s32 $_size__tile_overlayer_lowered;
	s6 =	simm.s32 $_tile_overlayer_lowered  }
0x9b: {  	s22 =	simm.s32 $0x1BFF;
	s21 =	sshll.u32 s6, $0x1;
	s3 =	sadd.s32 s4, s19  }
0x9c: {  	s7 =	simm.s32 $0x0;
	s20 =	sshll.u32 s5, $0x1;
	s5 =	sadd.s32 s21, s3  }
0x9d: {  	[timem:s7], [sflag:s22] =	dma.local [hbm:s5], s20  }
0x9e: {  	_ =	swait.ge [sflag:s22], s20  }
0x9f: {  	s4 =	ssub.s32 $0x0, s20;
	[sflag:s22] =	ssyncset.done $0x0  }
0xa0: {  	[sflag:s22] =	ssyncadd.s32 s4;
	_ =	sdelay $0x1  }
0xa1: {  	s23 =	simm.s32 $0x1B8B  }
0xa2: {  	_ =	swait.ge [sflag:s23], $0x1  }
0xa3: {  	[sflag:s23] =	ssyncset.done $0x0  }
0xa4: {  	s25 =	simm.s32 $0x1B8E;
	s24 =	sld [smem:$0x3FFE];
	[sflag:s23] =	ssyncadd.s32 $0xFFFFFFFF  }
0xa5: {  	s26 =	simm.s32 $execute0_lowered;
	[smem:$0x3FD2] =	sst s25  }
0xa6: {  	s5 =	sshll.u32 s26, $0x1;
	_ =	strace $0x80000046;
	[dreg:$0x1] =	wrdreg $0xFFFFFFFF  }
0xa7: {  	s28 =	simm.s32 $_size_execute0_lowered;
	s3 =	sadd.s32 s3, s5;
	[dreg:$0x0] =	wrdreg $0x0  }
0xa8: {  	s5 =	sshll.u32 s28, $0x1;
	[dreg:$0x2] =	wrdreg s3  }
0xa9: {  	[dreg:$0x3] =	wrdreg s5  }
0xaa: {  	[dreg:$0x4] =	wrdreg $0xC0  }
0xab: {  	_ =	task [dreg:s7], $0x5FFFF  }
0xac: {  	[dreg:$0x1] =	wrdreg $0xFFFFFFFF  }
0xad: {  	[dreg:$0x0] =	wrdreg $0x60  }
0xae: {  	[dreg:$0x2] =	wrdreg s2  }
0xaf: {  	[dreg:$0x3] =	wrdreg s24  }
0xb0: {  	[dreg:$0x4] =	wrdreg $0x9  }
0xb1: {  	_ =	task.clear_ibuf [dreg:s7], $0x5FFFF;
	_ =	strace $0x90000046  }
0xb2: {  	s29 =	simm.s32 $0x9;
	_ =	strace $0x80000048  }
0xb3: {  	_ =	swait.ge [sflag:s29], $0x1  }
0xb4: {  	[sflag:s29] =	ssyncadd.s32 $0xFFFFFFFF  }
0xb5: {  	_ =	strace $0x90000048  }
0xb6: {  	_ =	sfence  }
0xb7: {  	s30 =	sld [smem:$0x0];
	_ =	sdelay $0x2  }
0xb8: {  	s31 =	sshll.u32 s1, $0xD;
	s1 =	sshrl.u32 s1, $0x2  }
0xb9: {  	s3 =	sand.u32 $0x4000, s31;
	s1 =	sadd.s32 s1, s30  }
0xba: {  	s0 =	sor.u32 s3, s0;
	s1 =	sshll.u32 s1, $0x11  }
0xbb: {  	s0 =	sor.u32 s1, s0  }
0xbc: {  	s0 =	sadd.s32 $0x8F2B, s0  }
0xbd: {  	[sflag:s0] =	ssyncadd.remote.s32 $0x1  }
0xbe: {  	_ =	sfence.sel $0xFFFF  }
0xbf: {  	[dreg:$0x0] =	wrdreg $0xFFFFFFFF;
	(pc) =	sbr.abs _section_cstart, $3  }
0xc0: {  	[dreg:$0x1] =	wrdreg $0xFFFFFFFF  }
0xc1: {  	_ =	task.clear_ibuf [dreg:s7], $0x2FFFF;
	_ =	strace $0x9FFFFFFF  }
0xc2: {  	(tm) =	ssettm $0x7FFFFFFF  }
0xc3: {  	_ =	shalt  }
tec
execute0_lowered:
.L_overlay_start_1:
0x0: {  	(tag) =	ssettag $0x1  }
0x1: {  	s1 =	rddreg [dreg:$0x0]  }
0x2: {  	s4 =	rddreg [dreg:$0x1]  }
0x3: {  	s0 =	rddreg [dreg:$0x2];
	s5 =	srdreg.scid  }
0x4: {  	s3 =	simm.s32 $0x0;
	s2 =	stileid.u32;
	s10 =	simm.s32 $0x0  }
0x5: {  	s5 =	sand.u32 $0x1, s5;
	[smem:$0x7FF] =	sst s3;
	s6 =	sshll.u32 s2, $0xC  }
0x6: {  	s8 =	sshll.u32 s2, $0x10;
	s7 =	sshll.u32 s5, $0xB;
	_ =	strace $0x80000047  }
0x7: {  	s31 =	ssub.s32 $0x2, s5;
	s8 =	sadd.s32 s8, s4;
	s5 =	sshll.u32 s5, $0xF  }
0x8: {  	s6 =	sor.u32 s7, s6;
	s9 =	sshrl.u32 s31, $0x1;
	s5 =	sadd.s32 s5, s8  }
0x9: {  	s8 =	simm.s32 $0x80;
	s6 =	sshrl.u32 s6, $0x3;
	s7 =	ssub.s32 s31, s9  }
0xa: {  	s5 =	sadd.s32 $0x2A00, s5;
	s9 =	simm.s32 $0x1;
	s6 =	sadd.s32 s6, s4  }
0xb: {  	s4 =	smax.u32 s7, $0x1;
	s7 =	simm.s32 $0x2;
	s6 =	sadd.s32 $0xA00, s6  }
.LBB2_1:
0xc: {  	s11 =	sadd.s32 $0x0, s6  }
0xd: {  	[tilespmem:s3], [sflag:$0x2] =	stream.linear.gather [hbm4b:s11+s3], $0x80, $0x38;
	[tilespmem:$0x4080] =	vst v63  }
0xe: {  	_ =	swait.ge [sflag:s7], $0x80  }
0xf: {  	[sflag:s7] =	ssyncset.done $0x0  }
0x10: {  	[sflag:s7] =	ssyncadd.s32 $0xFFFFFF80  }
0x11: {  	[tilespmem:s8], [sflag:$0x1] =	stream.indirect.gather [hbm4b:s1+s8], $0x80, s3, s8, $0xb8;
	[tilespmem:$0x4080] =	vst v63  }
0x12: {  	_ =	swait.ge [sflag:s9], $0x4000  }
0x13: {  	[sflag:s9] =	ssyncset.done $0x0  }
0x14: {  	[sflag:s9] =	ssyncadd.s32 $0xFFFFC000  }
0x15: {  	[hbm4b:s5+s3] =	stream.linear.scatter [tilespmem:s8], [sflag:$0x2], $0x4000, $0x38;
	[tilespmem:$0x4080] =	vst v63  }
0x16: {  	s12 =	simm.s32 $0x10;
	_ =	swait.ge [sflag:s7], $0x4000  }
0x17: {  	s13 =	simm.s32 $0x20;
	s11 =	sadd.s32 $0x800, s5;
	[sflag:s7] =	ssyncset.done $0x0  }
.LBB2_2:
0x18: {  	s14 =	sadd.s32 s12, s6  }
0x19: {  	[sflag:s7] =	ssyncadd.s32 $0xFFFFC000;
	s12 =	smov.u32 s13;
	s15 =	sadd.s32 $0x10, s13  }
0x1a: {  	[tilespmem:s3], [sflag:$0x2] =	stream.linear.gather [hbm4b:s14+s3], $0x80, $0x38;
	[tilespmem:$0x4080] =	vst v63  }
0x1b: {  	p0 =	sne.s32 s13, $0xF0;
	_ =	swait.ge [sflag:s7], $0x80  }
0x1c: {  	[sflag:s7] =	ssyncset.done $0x0  }
0x1d: {  	[sflag:s7] =	ssyncadd.s32 $0xFFFFFF80  }
0x1e: {  	[tilespmem:s8], [sflag:$0x1] =	stream.indirect.gather [hbm4b:s1+s8], $0x80, s3, s8, $0xb8;
	[tilespmem:$0x4080] =	vst v63  }
0x1f: {  	_ =	swait.ge [sflag:s9], $0x4000  }
.Ltmp0:
0x20: {  	[sflag:s9] =	ssyncset.done $0x0;
	(pc) =	sbr.rel @p0 .LBB2_2-.Ltmp0, $4  }
0x21: {  	[sflag:s9] =	ssyncadd.s32 $0xFFFFC000  }
0x22: {  	[hbm4b:s11+s3] =	stream.linear.scatter [tilespmem:s8], [sflag:$0x2], $0x4000, $0x38;
	[tilespmem:$0x4080] =	vst v63  }
0x23: {  	_ =	swait.ge [sflag:s7], $0x4000  }
0x24: {  	s13 =	smov.u32 s15;
	s11 =	sadd.s32 $0x800, s11;
	[sflag:s7] =	ssyncset.done $0x0  }
0x25: {  	s12 =	sadd.s32 s12, s6;
	[sflag:s7] =	ssyncadd.s32 $0xFFFFC000  }
0x26: {  	[tilespmem:s3], [sflag:$0x2] =	stream.linear.gather [hbm4b:s12+s3], $0x80, $0x38;
	[tilespmem:$0x4080] =	vst v63  }
0x27: {  	_ =	swait.ge [sflag:s7], $0x80  }
0x28: {  	[sflag:s7] =	ssyncset.done $0x0  }
0x29: {  	[sflag:s7] =	ssyncadd.s32 $0xFFFFFF80  }
0x2a: {  	[tilespmem:s8], [sflag:$0x1] =	stream.indirect.gather [hbm4b:s1+s8], $0x80, s3, s8, $0xb8;
	[tilespmem:$0x4080] =	vst v63  }
0x2b: {  	s10 =	sadd.s32 $0x1, s10;
	_ =	swait.ge [sflag:s9], $0x4000  }
0x2c: {  	p0 =	sne.s32 s10, s4;
	[sflag:s9] =	ssyncset.done $0x0  }
.Ltmp1:
0x2d: {  	[sflag:s9] =	ssyncadd.s32 $0xFFFFC000;
	(pc) =	sbr.rel @p0 .LBB2_1-.Ltmp1, $4  }
0x2e: {  	[hbm4b:s11+s3] =	stream.linear.scatter [tilespmem:s8], [sflag:$0x2], $0x4000, $0x38;
	[tilespmem:$0x4080] =	vst v63  }
0x2f: {  	_ =	swait.ge [sflag:s7], $0x4000  }
0x30: {  	[sflag:s7] =	ssyncset.done $0x0  }
0x31: {  	[sflag:s7] =	ssyncadd.s32 $0xFFFFC000  }
0x32: {  	_ =	sfence.sel $0x180000  }
0x33: {  	[bflag:$0x0] =	sbarrier.arrive $0xFFFF  }
0x34: {  	p0 =	sne.s32 s2, $0x0;
	_ =	strace $0x90000047  }
0x35: {  	s0 =	sadd.s32 @!p0 $0x100000, s0;
	[bflag:$0x2] =	sbarrier.arrive $0xFFFF  }
0x36: {  	[sflag:s0] =	ssyncadd.tile.s32 @!p0 $0x1;
	_ =	shalt  }
.Lfunc_end2:
_tile_overlayer_lowered:
.L_overlay_start_2:
0x37: {  	(tag) =	ssettag $0x2  }
0x38: {  	s0 =	rddreg [dreg:$0x0];
	s2 =	stileid.u32  }
0x39: {  	s1 =	rddreg [dreg:$0x1];
	p0 =	sne.s32 s2, $0x0  }
0x3a: {  	s3 =	rddreg [dreg:$0x2];
	[bflag:$0x3] =	sbarrier.arrive $0xFFFF;
	s2 =	simm.s32 @!p0 $0x1C02  }
0x3b: {  	[timem:s3], [sflag:s2] =	dma.local @!p0 [hbm:s0], s1  }
0x3c: {  	s0 =	simm.s32 @!p0 $0x2  }
0x3d: {  	_ =	swait.ge @!p0 [sflag:s0], s1  }
0x3e: {  	s1 =	ssub.s32 @!p0 $0x0, s1;
	[sflag:s0] =	ssyncset.done @!p0 $0x0  }
0x3f: {  	[sflag:s0] =	ssyncadd.s32 @!p0 s1  }
0x40: {  	[bflag:$0x3] =	sbarrier.arrive $0xFFFF  }
0x41: {  	_ =	shalt  }

</sc_bundles>
